<compile_context>
chip_gen: v7x
topology: tpu7x:2x2x1
jax: 0.10.2.dev20260603
libtpu: 0.0.44.dev20260713+nightly
codegen_flags: <defaults>
</compile_context>

<pallas_src>
import functools
import math

import jax
import jax.numpy as jnp
from jax import lax
from jax.experimental import pallas as pl
from jax.experimental.pallas import tpu as pltpu
from jax.experimental.pallas import tpu_sc as plsc

NC = 2
NS = 16
NW = NC * NS
L = 16
NBUF = 3


@functools.partial(jax.jit, static_argnames=("B", "S", "D", "Cs"))
def _posemb_sc(x, word_table, pos_table, B, S, D, Cs):
    N = B * S
    s_per_w = S // NW
    n_chunks = s_per_w // Cs
    R = B * Cs
    scale = float(math.sqrt(D))
    vregs = D // L

    mesh = plsc.VectorSubcoreMesh(core_axis_name="c", subcore_axis_name="s")

    @functools.partial(
        pl.kernel,
        mesh=mesh,
        out_type=jax.ShapeDtypeStruct((N, D), jnp.float32),
        scratch_types=[
            pltpu.VMEM((n_chunks, R), jnp.int32),
            pltpu.VMEM((NBUF, R, D), jnp.float32),
            pltpu.VMEM((NBUF, Cs, D), jnp.float32),
        ] + [pltpu.SemaphoreType.DMA] * (3 * NBUF),
    )
    def run(idx_hbm, word_hbm, pos_hbm, out_hbm, idx_v, wbuf, pbuf, *sems):
        wsems = sems[0:NBUF]
        psems = sems[NBUF:2 * NBUF]
        osems = sems[2 * NBUF:3 * NBUF]
        cid = lax.axis_index("c")
        sid = lax.axis_index("s")
        wid = sid * NC + cid
        s_base = wid * s_per_w

        if True:
            return
        pltpu.sync_copy(idx_hbm.at[wid], idx_v)

        def start(g):
            slot = g % NBUF
            return [
                pltpu.async_copy(word_hbm.at[idx_v.at[g]], wbuf.at[slot],
                                 wsems[slot]),
                pltpu.async_copy(pos_hbm.at[pl.ds(s_base + g * Cs, Cs)],
                                 pbuf.at[slot], psems[slot]),
            ]

        owaits = [None] * NBUF
        starts = {0: start(0)}
        if n_chunks > 1:
            starts[1] = start(1)
        for g in range(n_chunks):
            slot = g % NBUF
            if g + 2 < n_chunks:
                ns = (g + 2) % NBUF
                for h in owaits[ns] or ():
                    h.wait()
                owaits[ns] = None
                starts[g + 2] = start(g + 2)
            for h in starts.pop(g):
                h.wait()

            @plsc.parallel_loop(0, Cs * vregs, unroll=16)
            def _(k):
                i = k // vregs
                j = (k % vregs) * L
                p = pbuf[slot, i, pl.ds(j, L)]
                for b in range(B):
                    w = wbuf[slot, b * Cs + i, pl.ds(j, L)]
                    wbuf[slot, b * Cs + i, pl.ds(j, L)] = w * scale + p

            owaits[slot] = [pltpu.async_copy(
                wbuf.at[slot, pl.ds(b * Cs, Cs)],
                out_hbm.at[pl.ds(b * S + s_base + g * Cs, Cs)],
                osems[slot]) for b in range(B)]
        for hs in owaits:
            for h in hs or ():
                h.wait()

    return run(x, word_table, pos_table)


def kernel(x, word_table, pos_table):
    B, S = x.shape
    V, D = word_table.shape
    Cs = 8
    s_per_w = S // NW
    assert S % (NW * Cs) == 0 and D % L == 0
    idx4 = (x.reshape(B, NW, s_per_w // Cs, Cs)
              .transpose(1, 2, 0, 3)
              .reshape(NW, s_per_w // Cs, B * Cs)
              .astype(jnp.int32))
    out = _posemb_sc(idx4, word_table, pos_table, B, S, D, Cs)
    return out.reshape(B, S, D)

# --- scband reference (transcript-rebuilt; emitter-appended) ---
"""Pipeline reference for scband-positional-embedding-68238440398885 (READ-ONLY COPY).

The authoritative reference and input builder live on the scoring server;
editing this copy changes nothing except your own understanding.
"""

import jax, jax.numpy as jnp
import numpy as np

VOCAB = 100000
D_MODEL = 1024
MAX_LEN = 2048
PAD_IDX = 0
BATCH = 4
SEQ = 2048


def setup_inputs(seed: int = 0) -> dict:
    key = jax.random.key(seed)
    k1, k2, k3 = jax.random.split(key, 3)
    x = jax.random.randint(k1, (BATCH, SEQ), 0, VOCAB, dtype=jnp.int64 if jax.config.jax_enable_x64 else jnp.int32)
    word_table = jax.random.normal(k2, (VOCAB, D_MODEL), dtype=jnp.float32)
    # nn.Embedding with padding_idx initializes that row to zero
    word_table = word_table.at[PAD_IDX].set(0.0)
    pos_table = jax.random.normal(k3, (MAX_LEN, D_MODEL), dtype=jnp.float32)
    return {"x": x, "word_table": word_table, "pos_table": pos_table}


def reference(x, word_table, pos_table):
    # word embedding lookup (gather)
    word_embedding = jnp.take(word_table, x, axis=0)  # [B, S, D]
    # positional embedding: arange(seq_len) repeated across batch
    position_matrix = jnp.broadcast_to(jnp.arange(x.shape[1]), (x.shape[0], x.shape[1]))
    positional_embedding = jnp.take(pos_table, position_matrix, axis=0)  # [B, S, D]
    scale = jnp.sqrt(jnp.asarray(D_MODEL, dtype=jnp.float32))
    embeddings = scale * word_embedding + positional_embedding
    # dropout is identity in eval/deterministic reference
    return embeddings

if __name__ == "__main__":
    import jax
    _d = setup_inputs()
    print(jax.jit(kernel)(*tuple(_d.values())))

</pallas_src>

<mosaic_0001>
#map = affine_map<(d0, d1) -> (0, 0, 0)>
#map1 = affine_map<(d0, d1) -> (0, 0)>
module attributes {stable_mosaic.version = 14 : i64} {
  func.func @run(%arg0: i32, %arg1: i32, %arg2: memref<32x8x32xi32, #tpu.memory_space<hbm>>, %arg3: memref<100000x1024xf32, #tpu.memory_space<hbm>>, %arg4: memref<2048x1024xf32, #tpu.memory_space<hbm>>, %arg5: memref<8192x1024xf32, #tpu.memory_space<hbm>>, %arg6: memref<8x32xi32, #tpu.memory_space<vmem>>, %arg7: memref<3x32x1024xf32, #tpu.memory_space<vmem>>, %arg8: memref<3x8x1024xf32, #tpu.memory_space<vmem>>, %arg9: memref<!tpu.dma_semaphore, #tpu.memory_space<semaphore_mem>>, %arg10: memref<!tpu.dma_semaphore, #tpu.memory_space<semaphore_mem>>, %arg11: memref<!tpu.dma_semaphore, #tpu.memory_space<semaphore_mem>>, %arg12: memref<!tpu.dma_semaphore, #tpu.memory_space<semaphore_mem>>, %arg13: memref<!tpu.dma_semaphore, #tpu.memory_space<semaphore_mem>>, %arg14: memref<!tpu.dma_semaphore, #tpu.memory_space<semaphore_mem>>, %arg15: memref<!tpu.dma_semaphore, #tpu.memory_space<semaphore_mem>>, %arg16: memref<!tpu.dma_semaphore, #tpu.memory_space<semaphore_mem>>, %arg17: memref<!tpu.dma_semaphore, #tpu.memory_space<semaphore_mem>>) attributes {dimension_semantics = [#tpu.dimension_semantics<core_parallel>, #tpu.dimension_semantics<subcore_parallel>], iteration_bounds = array<i64: 2, 16>, scalar_prefetch = 0 : i64, scratch_operands = 12 : i64, tpu.core_type = #tpu.core_type<sc_vector_subcore>, window_params = [{transform_indices = #map}, {transform_indices = #map1}, {transform_indices = #map1}, {transform_indices = #map1}]} {
    %mul3A = arith.constant 2 : i32
    %mul3A_0 = arith.muli %arg1, %mul3A : i32
    %add3A = arith.addi %mul3A_0, %arg0 : i32
    %mul3A_1 = arith.constant 64 : i32
    %mul3A_2 = arith.muli %add3A, %mul3A_1 : i32
    return
  }
}

</mosaic_0001>

<sc_bundles>
// kernel: _posemb_sc.3.cloned.1.call-start
scs
__scs_entry_jumppad:
0x0: {  	(pc) =	sbr.rel $0x88, $3  }
0x1: {  	(tag) =	ssettag $0x0;
	lr =	simm.s32 $0x1  }
0x2: {  	[smem:$0x3F9E] =	sst lr;
	_ =	strace $0xD0000000  }
0x3: {  	_ = 	snop  }
0x4: {  	_ = 	snop  }
0x5: {  	_ = 	snop  }
0x6: {  	_ = 	snop  }
0x7: {  	_ = 	snop  }
__scs_overlays_trampoline_lowered:
0x8: {  	[smem:$0x3FAD] =	sst s0  }
0x9: {  	[smem:$0x3FAE] =	sst s1  }
0xa: {  	[smem:$0x3FAF] =	sst s2  }
0xb: {  	[smem:$0x3FB0] =	sst s3  }
0xc: {  	[smem:$0x3FB1] =	sst s4  }
0xd: {  	[smem:$0x3FB2] =	sst s5  }
0xe: {  	[smem:$0x3FB3] =	sst s6  }
0xf: {  	[smem:$0x3FB4] =	sst s7  }
0x10: {  	[smem:$0x3FB5] =	sst s8  }
0x11: {  	[smem:$0x3FB6] =	sst s9;
	s0 =	simm.s32 @!p0 $0x0  }
0x12: {  	s1 =	sld [smem:$0x3F9C];
	s0 =	simm.s32 @p0 $0x1  }
0x13: {  	[smem:$0x3FB7] =	sst s0;
	s0 =	simm.s32 @!p1 $0x0  }
0x14: {  	s2 =	sld [smem:$0x3F9B];
	s0 =	simm.s32 @p1 $0x1  }
0x15: {  	[smem:$0x3FB8] =	sst s0;
	s0 =	simm.s32 @!p2 $0x0  }
0x16: {  	s3 =	sld [smem:$0x3FDB];
	s0 =	simm.s32 @p2 $0x1  }
0x17: {  	s4 =	simm.s32 $0x1BF5;
	[smem:$0x3FBA] =	sst s0  }
0x18: {  	s0 =	sld [smem:$0x3F9D];
	_ =	swait.ge [sflag:s4], $0x0  }
0x19: {  	s7 =	sld [smem:$0x3F9E]  }
0x1a: {  	s8 =	sadd.s32 $0xFFFFE003, lr  }
0x1b: {  	s9 =	sadd.s32 $0xFFFFFEF7, lr;
	s5 =	simm.s32 $0xFFFFFFFF;
	p2 =	slt.u32 s8, $0xFFFFF086  }
0x1c: {  	p1 =	slt.u32 s9, $0xF7A;
	s5 =	simm.s32 @!p2 $0x0  }
0x1d: {  	s5 =	simm.s32 @p1 $0x1;
	p0 =	seq.s32 s7, s2  }
0x1e: {  	s7 =	smul.u32 @!p0 $0xF7A, s2;
	p2 =	seq.s32 @!p0 s5, $0x0  }
0x1f: {  	s9 =	smul.u32 $0xF7A, s1;
	s8 =	simm.s32 @!p0 $0x1BF5;
	p2 =	por !p2, p0  }
0x20: {  	[sflag:s8] =	ssyncset.s32 @!p0 $0xFFFFF086;
	s6 =	sadd.s32 @!p0 s3, s7;
	s7 =	simm.s32 @!p0 $0x108  }
0x21: {  	s3 =	sadd.s32 s3, s9;
	s6 =	sadd.s32 @!p0 $0x88, s6;
	s7 =	simm.s32 @p2 $0x1082  }
0x22: {  	[simem:s7], [sflag:s8] =	dma.local @!p0 [hbm:s6], $0xF7A  }
0x23: {  	s9 =	sor.u32 $0xD0000000, s2;
	s6 =	simm.s32 $0x108;
	_ =	swait.ge @!p0 [sflag:s8], $0x0  }
0x24: {  	s3 =	sadd.s32 $0x88, s3;
	s6 =	simm.s32 @!p1 $0x1082;
	[sflag:s4] =	ssyncset.s32 $0xFFFFF086  }
0x25: {  	[simem:s6], [sflag:s4] =	dma.local [hbm:s3], $0xF7A  }
0x26: {  	[smem:$0x3F9E] =	sst s1;
	(tag) =	ssettag s2;
	_ =	strace s9  }
0x27: {  	s1 =	sld [smem:$0x3FAE]  }
0x28: {  	s2 =	sld [smem:$0x3FAF]  }
0x29: {  	s4 =	sld [smem:$0x3FB1]  }
0x2a: {  	p0 =	seq.s32 s5, $0x0;
	s5 =	sld [smem:$0x3FB2]  }
0x2b: {  	s6 =	sld [smem:$0x3FB3]  }
0x2c: {  	s7 =	sld [smem:$0x3FB4]  }
0x2d: {  	s3 =	simm.s32 $0x108;
	s8 =	sld [smem:$0x3FB5]  }
0x2e: {  	s3 =	simm.s32 @!p0 $0x1082;
	s9 =	sld [smem:$0x3FB6]  }
0x2f: {  	lr =	sadd.s32 s0, s3;
	s0 =	sld [smem:$0x3FAD]  }
0x30: {  	s3 =	sld [smem:$0x3FB0]  }
0x31: {  	[smem:$0x3FB9] =	sst s10  }
0x32: {  	s10 =	sld [smem:$0x3FB7];
	_ =	sdelay $0x3  }
0x33: {  	p0 =	seq.s32 s10, $0x1;
	s10 =	sld [smem:$0x3FB9];
	_ =	sdelay $0x3  }
0x34: {  	[smem:$0x3FB9] =	sst s10  }
0x35: {  	s10 =	sld [smem:$0x3FB8];
	_ =	sdelay $0x3  }
0x36: {  	p1 =	seq.s32 s10, $0x1;
	s10 =	sld [smem:$0x3FB9];
	_ =	sdelay $0x3  }
0x37: {  	[smem:$0x3FB9] =	sst s10  }
0x38: {  	s10 =	sld [smem:$0x3FBA]  }
0x39: {  	_ = 	snop;
	(pc) =	sbr.ind lr, $3  }
0x3a: {  	_ = 	snop  }
0x3b: {  	_ = 	snop  }
0x3c: {  	p2 =	seq.s32 s10, $0x1;
	s10 =	sld [smem:$0x3FB9]  }
0x3d: {  	_ =	shalt  }
0x3e: {  	_ =	shalt  }
0x3f: {  	_ =	shalt  }
0x40: {  	_ =	shalt  }
0x41: {  	_ =	shalt  }
0x42: {  	_ =	shalt  }
0x43: {  	_ =	shalt  }
0x44: {  	_ =	shalt  }
0x45: {  	_ =	shalt  }
0x46: {  	_ =	shalt  }
0x47: {  	_ =	shalt  }
0x48: {  	_ =	shalt  }
0x49: {  	_ =	shalt  }
0x4a: {  	_ =	shalt  }
0x4b: {  	_ =	shalt  }
0x4c: {  	_ =	shalt  }
0x4d: {  	_ =	shalt  }
0x4e: {  	_ =	shalt  }
0x4f: {  	_ =	shalt  }
0x50: {  	_ =	shalt  }
0x51: {  	_ =	shalt  }
0x52: {  	_ =	shalt  }
0x53: {  	_ =	shalt  }
0x54: {  	_ =	shalt  }
0x55: {  	_ =	shalt  }
0x56: {  	_ =	shalt  }
0x57: {  	_ =	shalt  }
0x58: {  	_ =	shalt  }
0x59: {  	_ =	shalt  }
0x5a: {  	_ =	shalt  }
0x5b: {  	_ =	shalt  }
0x5c: {  	_ =	shalt  }
0x5d: {  	_ =	shalt  }
0x5e: {  	_ =	shalt  }
0x5f: {  	_ =	shalt  }
0x60: {  	_ =	shalt  }
0x61: {  	_ =	shalt  }
0x62: {  	_ =	shalt  }
0x63: {  	_ =	shalt  }
0x64: {  	_ =	shalt  }
0x65: {  	_ =	shalt  }
0x66: {  	_ =	shalt  }
0x67: {  	_ =	shalt  }
0x68: {  	_ =	shalt  }
0x69: {  	_ =	shalt  }
0x6a: {  	_ =	shalt  }
0x6b: {  	_ =	shalt  }
0x6c: {  	_ =	shalt  }
0x6d: {  	_ =	shalt  }
0x6e: {  	_ =	shalt  }
0x6f: {  	_ =	shalt  }
0x70: {  	_ =	shalt  }
0x71: {  	_ =	shalt  }
0x72: {  	_ =	shalt  }
0x73: {  	_ =	shalt  }
0x74: {  	_ =	shalt  }
0x75: {  	_ =	shalt  }
0x76: {  	_ =	shalt  }
0x77: {  	_ =	shalt  }
0x78: {  	_ =	shalt  }
0x79: {  	_ =	shalt  }
0x7a: {  	_ =	shalt  }
0x7b: {  	_ =	shalt  }
0x7c: {  	_ =	shalt  }
0x7d: {  	_ =	shalt  }
0x7e: {  	_ =	shalt  }
0x7f: {  	_ =	shalt  }
0x80: {  	_ =	shalt  }
0x81: {  	_ =	shalt  }
0x82: {  	_ =	shalt  }
0x83: {  	_ =	shalt  }
0x84: {  	_ =	shalt  }
0x85: {  	_ =	shalt  }
0x86: {  	_ =	shalt  }
0x87: {  	_ =	shalt  }
.Lfunc_end0:
.L_simem_size_0:
called_computation_lowered:
.L_overlay_start_0:
0x88: {  	s1 =	sld [smem:$0x3FD9]  }
0x89: {  	s2 =	sld [smem:$0x3FFE];
	_ =	sdelay $0x1  }
0x8a: {  	s3 =	srdreg.scid  }
0x8b: {  	s0 =	sand.u32 $0x1, s3  }
0x8c: {  	s17 =	sshll.u32 s0, $0xA;
	s1 =	sadd.s32 s2, s1  }
0x8d: {  	s1 =	sadd.s32 s1, s17  }
0x8e: {  	[smem:$0x3FC5] =	sst s1  }
0x8f: {  	_ = 	snop  }
0x90: {  	(tm) =	ssettm $0x1  }
0x91: {  	s18 =	sld [smem:$0x3FFB];
	_ =	sdelay $0x3  }
0x92: {  	_ =	strace s18  }
0x93: {  	s1 =	sld [smem:$0x3FFC];
	_ =	sdelay $0x3  }
0x94: {  	_ =	strace s1  }
0x95: {  	s1 =	sld [smem:$0x3FFD];
	_ =	sdelay $0x3  }
0x96: {  	_ =	strace s1  }
0x97: {  	_ =	strace $0x8FFFFFFF  }
0x98: {  	s19 =	sld [smem:$0x3FDB];
	_ =	sdelay $0x1  }
0x99: {  	s20 =	simm.s32 $_scs_section_size  }
0x9a: {  	s4 =	simm.s32 $_size__tile_overlayer_lowered;
	s5 =	simm.s32 $_tile_overlayer_lowered  }
0x9b: {  	s23 =	simm.s32 $0x1BFF;
	s22 =	sshll.u32 s5, $0x1;
	s1 =	sadd.s32 s20, s19  }
0x9c: {  	s6 =	simm.s32 $0x0;
	s21 =	sshll.u32 s4, $0x1;
	s4 =	sadd.s32 s22, s1  }
0x9d: {  	[timem:s6], [sflag:s23] =	dma.local [hbm:s4], s21  }
0x9e: {  	_ =	swait.ge [sflag:s23], s21  }
0x9f: {  	s2 =	ssub.s32 $0x0, s21;
	[sflag:s23] =	ssyncset.done $0x0  }
0xa0: {  	[sflag:s23] =	ssyncadd.s32 s2;
	_ =	sdelay $0x1  }
0xa1: {  	s24 =	simm.s32 $0x1B8B  }
0xa2: {  	_ =	swait.ge [sflag:s24], $0x1  }
0xa3: {  	[sflag:s24] =	ssyncset.done $0x0  }
0xa4: {  	s25 =	simm.s32 $0x1B8E;
	[sflag:s24] =	ssyncadd.s32 $0xFFFFFFFF  }
0xa5: {  	s26 =	simm.s32 $execute0_lowered;
	[smem:$0x3FD2] =	sst s25  }
0xa6: {  	s2 =	sshll.u32 s26, $0x1;
	_ =	strace $0x80000046;
	[dreg:$0x1] =	wrdreg $0xFFFFFFFF  }
0xa7: {  	s28 =	simm.s32 $_size_execute0_lowered;
	s1 =	sadd.s32 s1, s2;
	[dreg:$0x0] =	wrdreg $0x0  }
0xa8: {  	s2 =	sshll.u32 s28, $0x1;
	[dreg:$0x2] =	wrdreg s1  }
0xa9: {  	[dreg:$0x3] =	wrdreg s2  }
0xaa: {  	[dreg:$0x4] =	wrdreg $0xC0  }
0xab: {  	_ =	task [dreg:s6], $0x5FFFF  }
0xac: {  	[dreg:$0x1] =	wrdreg $0xFFFFFFFF  }
0xad: {  	[dreg:$0x0] =	wrdreg $0x60  }
0xae: {  	[dreg:$0x2] =	wrdreg $0x9  }
0xaf: {  	_ =	task.clear_ibuf [dreg:s6], $0x3FFFF;
	_ =	strace $0x90000046  }
0xb0: {  	s29 =	simm.s32 $0x9;
	_ =	strace $0x80000048  }
0xb1: {  	_ =	swait.ge [sflag:s29], $0x1  }
0xb2: {  	[sflag:s29] =	ssyncadd.s32 $0xFFFFFFFF  }
0xb3: {  	_ =	strace $0x90000048  }
0xb4: {  	_ =	sfence  }
0xb5: {  	s30 =	sld [smem:$0x0];
	_ =	sdelay $0x2  }
0xb6: {  	s31 =	sshll.u32 s3, $0xD;
	s3 =	sshrl.u32 s3, $0x2  }
0xb7: {  	s2 =	sand.u32 $0x4000, s31;
	s1 =	sadd.s32 s3, s30  }
0xb8: {  	s0 =	sor.u32 s2, s0;
	s1 =	sshll.u32 s1, $0x11  }
0xb9: {  	s0 =	sor.u32 s1, s0  }
0xba: {  	s0 =	sadd.s32 $0x8F2B, s0  }
0xbb: {  	[sflag:s0] =	ssyncadd.remote.s32 $0x1  }
0xbc: {  	_ =	sfence.sel $0xFFFF  }
0xbd: {  	[dreg:$0x0] =	wrdreg $0xFFFFFFFF;
	(pc) =	sbr.abs _section_cstart, $3  }
0xbe: {  	[dreg:$0x1] =	wrdreg $0xFFFFFFFF  }
0xbf: {  	_ =	task.clear_ibuf [dreg:s6], $0x2FFFF;
	_ =	strace $0x9FFFFFFF  }
0xc0: {  	(tm) =	ssettm $0x7FFFFFFF  }
0xc1: {  	_ =	shalt  }
tec
execute0_lowered:
.L_overlay_start_1:
0x0: {  	(tag) =	ssettag $0x1  }
0x1: {  	s0 =	rddreg [dreg:$0x0];
	_ =	strace $0x80000047  }
0x2: {  	_ =	sfence.sel $0x180000  }
0x3: {  	s1 =	stileid.u32;
	[bflag:$0x0] =	sbarrier.arrive $0xFFFF  }
0x4: {  	p0 =	sne.s32 s1, $0x0;
	_ =	strace $0x90000047  }
0x5: {  	s0 =	sadd.s32 @!p0 $0x100000, s0;
	[bflag:$0x2] =	sbarrier.arrive $0xFFFF  }
0x6: {  	[sflag:s0] =	ssyncadd.tile.s32 @!p0 $0x1;
	_ =	shalt  }
.Lfunc_end2:
_tile_overlayer_lowered:
.L_overlay_start_2:
0x7: {  	(tag) =	ssettag $0x2  }
0x8: {  	s0 =	rddreg [dreg:$0x0];
	s2 =	stileid.u32  }
0x9: {  	s1 =	rddreg [dreg:$0x1];
	p0 =	sne.s32 s2, $0x0  }
0xa: {  	s3 =	rddreg [dreg:$0x2];
	[bflag:$0x3] =	sbarrier.arrive $0xFFFF;
	s2 =	simm.s32 @!p0 $0x1C01  }
0xb: {  	[timem:s3], [sflag:s2] =	dma.local @!p0 [hbm:s0], s1  }
0xc: {  	s0 =	simm.s32 @!p0 $0x1  }
0xd: {  	_ =	swait.ge @!p0 [sflag:s0], s1  }
0xe: {  	s1 =	ssub.s32 @!p0 $0x0, s1;
	[sflag:s0] =	ssyncset.done @!p0 $0x0  }
0xf: {  	[sflag:s0] =	ssyncadd.s32 @!p0 s1  }
0x10: {  	[bflag:$0x3] =	sbarrier.arrive $0xFFFF  }
0x11: {  	_ =	shalt  }

</sc_bundles>
